<compile_context>
chip_gen: v7x
topology: tpu7x:2x2x1
jax: 0.10.2.dev20260603
libtpu: 0.0.44.dev20260713+nightly
codegen_flags: <defaults>
</compile_context>

<pallas_src>
import functools

import jax
import jax.numpy as jnp
from jax import lax
from jax.experimental import pallas as pl
from jax.experimental.pallas import tpu as pltpu
from jax.experimental.pallas import tpu_sc as plsc

_B = 16384
_F = 128
_V = 100000
_ROWS_PER_BLOCK = 20480


def _tc_scores(user_row, item_table):
    nb = (_V + _ROWS_PER_BLOCK - 1) // _ROWS_PER_BLOCK
    vpad = nb * _ROWS_PER_BLOCK

    def body(u_ref, rows_ref, s_ref):
        s_ref[...] = lax.dot_general(
            u_ref[...], rows_ref[...], (((1,), (1,)), ((), ())),
            preferred_element_type=jnp.float32)

    out = pl.pallas_call(
        body,
        grid=(nb,),
        in_specs=[
            pl.BlockSpec((1, _F), lambda i: (0, 0)),
            pl.BlockSpec((_ROWS_PER_BLOCK, _F), lambda i: (i, 0)),
        ],
        out_specs=pl.BlockSpec((1, _ROWS_PER_BLOCK), lambda i: (0, i)),
        out_shape=jax.ShapeDtypeStruct((1, vpad), jnp.float32),
    )(user_row, item_table)
    return out.reshape(vpad)


def _sc_diff(pos_i, neg_j, scores):
    info = plsc.get_sparse_core_info()
    nc, ns = info.num_cores, info.num_subcores
    nw = nc * ns
    bpw = _B // nw
    mesh = plsc.VectorSubcoreMesh(core_axis_name="c", subcore_axis_name="s")

    @functools.partial(
        pl.kernel,
        mesh=mesh,
        compiler_params=pltpu.CompilerParams(needs_layout_passes=False),
        out_type=jax.ShapeDtypeStruct((_B,), jnp.float32),
        scratch_types=[
            pltpu.VMEM((bpw,), jnp.int32),
            pltpu.VMEM((bpw,), jnp.int32),
            pltpu.VMEM((bpw,), jnp.float32),
            pltpu.VMEM((bpw,), jnp.float32),
            pltpu.SemaphoreType.DMA,
            pltpu.SemaphoreType.DMA,
        ],
    )
    def body(pos_hbm, neg_hbm, s_hbm, out_hbm,
             idxp_v, idxn_v, sp_v, sn_v, sem0, sem1):
        wid = lax.axis_index("s") * nc + lax.axis_index("c")
        base = wid * bpw
        pltpu.sync_copy(pos_hbm.at[pl.ds(base, bpw)], idxp_v)
        pltpu.sync_copy(neg_hbm.at[pl.ds(base, bpw)], idxn_v)
        cp = pltpu.async_copy(s_hbm.at[idxp_v], sp_v, sem0)
        cn = pltpu.async_copy(s_hbm.at[idxn_v], sn_v, sem1)
        cp.wait()
        cn.wait()
        def diff(k, carry):
            sl = pl.ds(16 * k, 16)
            sp_v[sl] = sp_v[sl] - sn_v[sl]
            return carry

        lax.fori_loop(0, bpw // 16, diff, 0)
        pltpu.sync_copy(sp_v, out_hbm.at[pl.ds(base, bpw)])

    return body(pos_i, neg_j, scores)


def _tc_loss(x):
    def body(x_ref, o_ref):
        z = -x_ref[...]
        sp = jnp.maximum(z, 0.0) + jnp.log1p(jnp.exp(-jnp.abs(z)))
        o_ref[0, 0] = jnp.sum(sp)

    out = pl.pallas_call(
        body,
        out_shape=jax.ShapeDtypeStruct((1, 1), jnp.float32),
        out_specs=pl.BlockSpec(memory_space=pltpu.SMEM),
    )(x.reshape(_B // _F, _F))
    return out[0, 0]


def kernel(n_user, pos_i, neg_j, user_table, item_table):
    scores = _tc_scores(user_table, item_table)
    x = _sc_diff(pos_i, neg_j, scores)
    return _tc_loss(x)

# --- scband reference (transcript-rebuilt; emitter-appended) ---
"""Pipeline reference for scband-update-user-23656679867550 (READ-ONLY COPY).

The authoritative reference and input builder live on the scoring server;
editing this copy changes nothing except your own understanding.
"""

import jax, jax.numpy as jnp
import numpy as np

B = 16384
V = 100000
F = 128

def setup_inputs(seed: int = 0) -> dict:
    key = jax.random.key(seed)
    k1, k2, k3, k4 = jax.random.split(key, 4)
    n_user = jnp.zeros((B,), dtype=jnp.int32)
    pos_i = jax.random.randint(k1, (B,), 0, V, dtype=jnp.int32)
    neg_j = jax.random.randint(k2, (B,), 0, V, dtype=jnp.int32)
    user_table = jax.random.normal(k3, (1, F), dtype=jnp.float32) * 0.01
    item_table = jax.random.normal(k4, (V, F), dtype=jnp.float32)
    return {"n_user": n_user, "pos_i": pos_i, "neg_j": neg_j, "user_table": user_table, "item_table": item_table}

def reference(n_user, pos_i, neg_j, user_table, item_table):
    user = jnp.take(user_table, n_user, axis=0)
    pos_e = jnp.take(item_table, pos_i, axis=0)
    neg_e = jnp.take(item_table, neg_j, axis=0)
    pos_predict = jnp.sum(user * pos_e, axis=1)
    neg_predict = jnp.sum(user * neg_e, axis=1)
    log_prob = jnp.sum(jax.nn.log_sigmoid(pos_predict - neg_predict))
    return -log_prob

if __name__ == "__main__":
    import jax
    _d = setup_inputs()
    print(jax.jit(kernel)(*tuple(_d.values())))

</pallas_src>

<mosaic_0001>
#map = affine_map<(d0, d1) -> (0)>
module attributes {stable_mosaic.version = 14 : i64} {
  func.func @body(%arg0: i32, %arg1: i32, %arg2: memref<16384xi32, #tpu.memory_space<hbm>>, %arg3: memref<16384xi32, #tpu.memory_space<hbm>>, %arg4: memref<102400xf32, #tpu.memory_space<hbm>>, %arg5: memref<16384xf32, #tpu.memory_space<hbm>>, %arg6: memref<512xi32, #tpu.memory_space<vmem>>, %arg7: memref<512xi32, #tpu.memory_space<vmem>>, %arg8: memref<512xf32, #tpu.memory_space<vmem>>, %arg9: memref<512xf32, #tpu.memory_space<vmem>>, %arg10: memref<!tpu.dma_semaphore, #tpu.memory_space<semaphore_mem>>, %arg11: memref<!tpu.dma_semaphore, #tpu.memory_space<semaphore_mem>>) attributes {dimension_semantics = [#tpu.dimension_semantics<core_parallel>, #tpu.dimension_semantics<subcore_parallel>], iteration_bounds = array<i64: 2, 16>, scalar_prefetch = 0 : i64, scratch_operands = 6 : i64, tpu.core_type = #tpu.core_type<sc_vector_subcore>, window_params = [{transform_indices = #map}, {transform_indices = #map}, {transform_indices = #map}, {transform_indices = #map}]} {
    %mul3A = arith.constant 2 : i32
    %mul3A_0 = arith.muli %arg1, %mul3A : i32
    %add3A = arith.addi %mul3A_0, %arg0 : i32
    %mul3A_1 = arith.constant 512 : i32
    %mul3A_2 = arith.muli %add3A, %mul3A_1 : i32
    "tpu.region"() ({
      %run_scoped3A = tpu.sem_alloc : memref<!tpu.dma_semaphore, #tpu.memory_space<semaphore_mem>>
      %dma_start3A_14 = tpu.memref_slice %arg2[%mul3A_2] : memref<16384xi32, #tpu.memory_space<hbm>> -> memref<512xi32, #tpu.memory_space<hbm>>
      %dma_start3A_15 = tpu.memref_slice %arg2[%mul3A_2] : memref<16384xi32, #tpu.memory_space<hbm>> -> memref<512xi32, #tpu.memory_space<hbm>>
      tpu.enqueue_dma source(%dma_start3A_15 : memref<512xi32, #tpu.memory_space<hbm>>) target(%arg6 : memref<512xi32, #tpu.memory_space<vmem>>) target_semaphore(%run_scoped3A : memref<!tpu.dma_semaphore, #tpu.memory_space<semaphore_mem>>)
      %dma_wait3A_16 = tpu.memref_slice %arg2[%mul3A_2] : memref<16384xi32, #tpu.memory_space<hbm>> -> memref<512xi32, #tpu.memory_space<hbm>>
      %dma_wait3A_17 = tpu.memref_slice %arg2[%mul3A_2] : memref<16384xi32, #tpu.memory_space<hbm>> -> memref<512xi32, #tpu.memory_space<hbm>>
      tpu.wait_dma2 semaphore(%run_scoped3A : memref<!tpu.dma_semaphore, #tpu.memory_space<semaphore_mem>>) src(%dma_wait3A_17 : memref<512xi32, #tpu.memory_space<hbm>>) dst(%arg6 : memref<512xi32, #tpu.memory_space<vmem>>)
      tpu.yield
    }) : () -> ()
    "tpu.region"() ({
      %run_scoped3A = tpu.sem_alloc : memref<!tpu.dma_semaphore, #tpu.memory_space<semaphore_mem>>
      %dma_start3A_14 = tpu.memref_slice %arg3[%mul3A_2] : memref<16384xi32, #tpu.memory_space<hbm>> -> memref<512xi32, #tpu.memory_space<hbm>>
      %dma_start3A_15 = tpu.memref_slice %arg3[%mul3A_2] : memref<16384xi32, #tpu.memory_space<hbm>> -> memref<512xi32, #tpu.memory_space<hbm>>
      tpu.enqueue_dma source(%dma_start3A_15 : memref<512xi32, #tpu.memory_space<hbm>>) target(%arg7 : memref<512xi32, #tpu.memory_space<vmem>>) target_semaphore(%run_scoped3A : memref<!tpu.dma_semaphore, #tpu.memory_space<semaphore_mem>>)
      %dma_wait3A_16 = tpu.memref_slice %arg3[%mul3A_2] : memref<16384xi32, #tpu.memory_space<hbm>> -> memref<512xi32, #tpu.memory_space<hbm>>
      %dma_wait3A_17 = tpu.memref_slice %arg3[%mul3A_2] : memref<16384xi32, #tpu.memory_space<hbm>> -> memref<512xi32, #tpu.memory_space<hbm>>
      tpu.wait_dma2 semaphore(%run_scoped3A : memref<!tpu.dma_semaphore, #tpu.memory_space<semaphore_mem>>) src(%dma_wait3A_17 : memref<512xi32, #tpu.memory_space<hbm>>) dst(%arg7 : memref<512xi32, #tpu.memory_space<vmem>>)
      tpu.yield
    }) : () -> ()
    %dma_start3A = arith.constant 0 : i32
    %dma_start3A_3 = tpu.memref_slice %arg4[%dma_start3A] : memref<102400xf32, #tpu.memory_space<hbm>> -> memref<102400xf32, #tpu.memory_space<hbm>>
    tpu.enqueue_indirect_dma source(%dma_start3A_3 : memref<102400xf32, #tpu.memory_space<hbm>>) target(%arg8 : memref<512xf32, #tpu.memory_space<vmem>>) offsets(%arg6 : memref<512xi32, #tpu.memory_space<vmem>>) semaphore(%arg10 : memref<!tpu.dma_semaphore, #tpu.memory_space<semaphore_mem>>)
    %dma_start3A_4 = arith.constant 0 : i32
    %dma_start3A_5 = tpu.memref_slice %arg4[%dma_start3A_4] : memref<102400xf32, #tpu.memory_space<hbm>> -> memref<102400xf32, #tpu.memory_space<hbm>>
    tpu.enqueue_indirect_dma source(%dma_start3A_5 : memref<102400xf32, #tpu.memory_space<hbm>>) target(%arg9 : memref<512xf32, #tpu.memory_space<vmem>>) offsets(%arg7 : memref<512xi32, #tpu.memory_space<vmem>>) semaphore(%arg11 : memref<!tpu.dma_semaphore, #tpu.memory_space<semaphore_mem>>)
    %dma_wait3A = arith.constant 0 : i32
    %dma_wait3A_6 = tpu.memref_slice %arg4[%dma_wait3A] : memref<102400xf32, #tpu.memory_space<hbm>> -> memref<102400xf32, #tpu.memory_space<hbm>>
    tpu.wait_indirect_dma semaphore(%arg10 : memref<!tpu.dma_semaphore, #tpu.memory_space<semaphore_mem>>) src(%dma_wait3A_6 : memref<102400xf32, #tpu.memory_space<hbm>>) dst(%arg8 : memref<512xf32, #tpu.memory_space<vmem>>)
    %dma_wait3A_7 = arith.constant 0 : i32
    %dma_wait3A_8 = tpu.memref_slice %arg4[%dma_wait3A_7] : memref<102400xf32, #tpu.memory_space<hbm>> -> memref<102400xf32, #tpu.memory_space<hbm>>
    tpu.wait_indirect_dma semaphore(%arg11 : memref<!tpu.dma_semaphore, #tpu.memory_space<semaphore_mem>>) src(%dma_wait3A_8 : memref<102400xf32, #tpu.memory_space<hbm>>) dst(%arg9 : memref<512xf32, #tpu.memory_space<vmem>>)
    %scan3A = arith.constant 0 : i32
    %scan3A_9 = arith.constant 0 : i32
    %scan3A_10 = arith.constant 32 : i32
    %scan3A_11 = arith.addi %scan3A_9, %scan3A_10 : i32
    %scan3A_12 = arith.constant 1 : i32
    scf.for %scan3A_14 = %scan3A_9 to %scan3A_11 step %scan3A_12  : i32 {
      %mul3A_15 = arith.constant 16 : i32
      %mul3A_16 = arith.muli %mul3A_15, %scan3A_14 : i32
      %get3A = arith.index_cast %mul3A_16 : i32 to index
      %get3A_17 = tpu.vector_load %arg8[%get3A] {strides = array<i32>} : memref<512xf32, #tpu.memory_space<vmem>>, vector<16xf32>,
      %get3A_18 = arith.index_cast %mul3A_16 : i32 to index
      %get3A_19 = tpu.vector_load %arg9[%get3A_18] {strides = array<i32>} : memref<512xf32, #tpu.memory_space<vmem>>, vector<16xf32>,
      %sub3A = arith.subf %get3A_17, %get3A_19 : vector<16xf32>
      %swap3A = arith.index_cast %mul3A_16 : i32 to index
      %swap3A_20 = tpu.vector_load %arg8[%swap3A] {strides = array<i32>} : memref<512xf32, #tpu.memory_space<vmem>>, vector<16xf32>,
      tpu.vector_store %arg8[%swap3A], %sub3A {strides = array<i32>} : memref<512xf32, #tpu.memory_space<vmem>>, vector<16xf32>,
    }
    %scan3A_13 = arith.constant 32 : i32
    "tpu.region"() ({
      %run_scoped3A = tpu.sem_alloc : memref<!tpu.dma_semaphore, #tpu.memory_space<semaphore_mem>>
      %dma_start3A_14 = tpu.memref_slice %arg5[%mul3A_2] : memref<16384xf32, #tpu.memory_space<hbm>> -> memref<512xf32, #tpu.memory_space<hbm>>
      %dma_start3A_15 = tpu.memref_slice %arg5[%mul3A_2] : memref<16384xf32, #tpu.memory_space<hbm>> -> memref<512xf32, #tpu.memory_space<hbm>>
      tpu.enqueue_dma source(%arg8 : memref<512xf32, #tpu.memory_space<vmem>>) target(%dma_start3A_15 : memref<512xf32, #tpu.memory_space<hbm>>) target_semaphore(%run_scoped3A : memref<!tpu.dma_semaphore, #tpu.memory_space<semaphore_mem>>)
      %dma_wait3A_16 = tpu.memref_slice %arg5[%mul3A_2] : memref<16384xf32, #tpu.memory_space<hbm>> -> memref<512xf32, #tpu.memory_space<hbm>>
      %dma_wait3A_17 = tpu.memref_slice %arg5[%mul3A_2] : memref<16384xf32, #tpu.memory_space<hbm>> -> memref<512xf32, #tpu.memory_space<hbm>>
      tpu.wait_dma2 semaphore(%run_scoped3A : memref<!tpu.dma_semaphore, #tpu.memory_space<semaphore_mem>>) src(%arg8 : memref<512xf32, #tpu.memory_space<vmem>>) dst(%dma_wait3A_17 : memref<512xf32, #tpu.memory_space<hbm>>)
      tpu.yield
    }) : () -> ()
    return
  }
}

module attributes {stable_mosaic.version = 14 : i64} {
  func.func @body(%arg0: i32, %arg1: memref<1x128xf32, #tpu.memory_space<vmem>>, %arg2: memref<20480x128xf32, #tpu.memory_space<vmem>>, %arg3: memref<1x20480xf32, #tpu.memory_space<vmem>>) attributes {dimension_semantics = [#tpu.dimension_semantics<arbitrary>], iteration_bounds = array<i64: 5>, scalar_prefetch = 0 : i64, scratch_operands = 0 : i64, tpu.core_type = #tpu.core_type<tc>, window_params = [{pipeline_mode = #tpu.pipeline_mode<synchronous>, transform_indices = @transform_0, window_bounds = array<i64: 1, 128>}, {transform_indices = @transform_1, window_bounds = array<i64: 20480, 128>}, {transform_indices = @transform_2, window_bounds = array<i64: 1, 20480>}]} {
    %get3A = arith.constant 0 : index
    %get3A_0 = arith.constant 0 : index
    %get3A_1 = vector.load %arg1[%get3A, %get3A_0] : memref<1x128xf32, #tpu.memory_space<vmem>>, vector<1x128xf32>
    %get3A_2 = arith.constant 0 : index
    %get3A_3 = arith.constant 0 : index
    %get3A_4 = vector.load %arg2[%get3A_2, %get3A_3] : memref<20480x128xf32, #tpu.memory_space<vmem>>, vector<20480x128xf32>
    %dot_general3A = arith.constant dense<0.000000e+00> : vector<1x20480xf32>
    %dot_general3A_5 = tpu.matmul %get3A_1, %get3A_4, %dot_general3A {dimension_numbers = #tpu.dot_dimension_numbers<[1], [1], [0], [0], [0, 0, 1, 0], [], []>, transpose_lhs_hint = false} : vector<1x128xf32>, vector<20480x128xf32>, vector<1x20480xf32> -> vector<1x20480xf32>
    %swap3A = arith.constant 0 : index
    %swap3A_6 = arith.constant 0 : index
    %swap3A_7 = vector.load %arg3[%swap3A, %swap3A_6] : memref<1x20480xf32, #tpu.memory_space<vmem>>, vector<1x20480xf32>
    tpu.vector_store %arg3[%swap3A, %swap3A_6], %dot_general3A_5 {strides = array<i32>} : memref<1x20480xf32, #tpu.memory_space<vmem>>, vector<1x20480xf32>,
    return
  }
  func.func @transform_0(%arg0: i32) -> (i32, i32) {
    %c0_i32 = arith.constant 0 : i32
    %c0_i32_0 = arith.constant 0 : i32
    %c0_i32_1 = arith.constant 0 : i32
    return %c0_i32, %c0_i32_0 : i32, i32
  }
  func.func @transform_1(%arg0: i32) -> (i32, i32) {
    %c0_i32 = arith.constant 0 : i32
    %c0_i32_0 = arith.constant 0 : i32
    return %arg0, %c0_i32 : i32, i32
  }
  func.func @transform_2(%arg0: i32) -> (i32, i32) {
    %c0_i32 = arith.constant 0 : i32
    %c0_i32_0 = arith.constant 0 : i32
    return %c0_i32, %arg0 : i32, i32
  }
}

module attributes {stable_mosaic.version = 14 : i64} {
  func.func @body(%arg0: memref<128x128xf32, #tpu.memory_space<vmem>>, %arg1: memref<1x1xf32, #tpu.memory_space<smem>>) attributes {dimension_semantics = [], scalar_prefetch = 0 : i64, scratch_operands = 0 : i64, tpu.core_type = #tpu.core_type<tc>} {
    %get3A = arith.constant 0 : index
    %get3A_0 = arith.constant 0 : index
    %get3A_1 = vector.load %arg0[%get3A, %get3A_0] : memref<128x128xf32, #tpu.memory_space<vmem>>, vector<128x128xf32>
    %neg3A = arith.constant 0.000000e+00 : f32
    %neg3A_2 = vector.broadcast %neg3A : f32 to vector<128x128xf32>
    %neg3A_3 = arith.subf %neg3A_2, %get3A_1 : vector<128x128xf32>
    %max3A = arith.constant 0.000000e+00 : f32
    %max3A_4 = vector.broadcast %max3A : f32 to vector<128x128xf32>
    %max3A_5 = arith.maximumf %neg3A_3, %max3A_4 : vector<128x128xf32>
    %abs3A = math.absf %neg3A_3 : vector<128x128xf32>
    %neg3A_6 = arith.constant 0.000000e+00 : f32
    %neg3A_7 = vector.broadcast %neg3A_6 : f32 to vector<128x128xf32>
    %neg3A_8 = arith.subf %neg3A_7, %abs3A : vector<128x128xf32>
    %exp3A = math.exp %neg3A_8 : vector<128x128xf32>
    %log1p3A = math.log1p %exp3A : vector<128x128xf32>
    %add3A = arith.addf %max3A_5, %log1p3A : vector<128x128xf32>
    %reduce_sum3A = vector.shape_cast %add3A : vector<128x128xf32> to vector<1x128x128xf32>
    %reduce_sum3A_9 = arith.constant dense<0.000000e+00> : vector<1xf32>
    %reduce_sum3A_10 = vector.multi_reduction <add>, %reduce_sum3A, %reduce_sum3A_9 [1, 2] : vector<1x128x128xf32> to vector<1xf32>
    %reduce_sum3A_11 = vector.shape_cast %reduce_sum3A_10 : vector<1xf32> to vector<1x1x1xf32>
    %reduce_sum3A_12 = vector.extract %reduce_sum3A_11[0, 0, 0] : f32 from vector<1x1x1xf32>
    %swap3A = arith.constant 0 : index
    %swap3A_13 = arith.constant 0 : index
    %swap3A_14 = memref.load %arg1[%swap3A, %swap3A_13] : memref<1x1xf32, #tpu.memory_space<smem>>
    memref.store %reduce_sum3A_12, %arg1[%swap3A, %swap3A_13] : memref<1x1xf32, #tpu.memory_space<smem>>
    return
  }
}

</mosaic_0001>

<sc_bundles>
// kernel: kernel.5.cloned.1.call-start
scs
__scs_entry_jumppad:
0x0: {  	(pc) =	sbr.rel $0x88, $3  }
0x1: {  	(tag) =	ssettag $0x0;
	lr =	simm.s32 $0x1  }
0x2: {  	[smem:$0x3F9D] =	sst lr;
	_ =	strace $0xD0000000  }
0x3: {  	_ = 	snop  }
0x4: {  	_ = 	snop  }
0x5: {  	_ = 	snop  }
0x6: {  	_ = 	snop  }
0x7: {  	_ = 	snop  }
__scs_overlays_trampoline_lowered:
0x8: {  	[smem:$0x3FAC] =	sst s0  }
0x9: {  	[smem:$0x3FAD] =	sst s1  }
0xa: {  	[smem:$0x3FAE] =	sst s2  }
0xb: {  	[smem:$0x3FAF] =	sst s3  }
0xc: {  	[smem:$0x3FB0] =	sst s4  }
0xd: {  	[smem:$0x3FB1] =	sst s5  }
0xe: {  	[smem:$0x3FB2] =	sst s6  }
0xf: {  	[smem:$0x3FB3] =	sst s7  }
0x10: {  	[smem:$0x3FB4] =	sst s8  }
0x11: {  	[smem:$0x3FB5] =	sst s9;
	s0 =	simm.s32 @!p0 $0x0  }
0x12: {  	s1 =	sld [smem:$0x3F9B];
	s0 =	simm.s32 @p0 $0x1  }
0x13: {  	[smem:$0x3FB6] =	sst s0;
	s0 =	simm.s32 @!p1 $0x0  }
0x14: {  	s2 =	sld [smem:$0x3F9A];
	s0 =	simm.s32 @p1 $0x1  }
0x15: {  	[smem:$0x3FB7] =	sst s0;
	s0 =	simm.s32 @!p2 $0x0  }
0x16: {  	s3 =	sld [smem:$0x3FDB];
	s0 =	simm.s32 @p2 $0x1  }
0x17: {  	s4 =	simm.s32 $0x1BF5;
	[smem:$0x3FB9] =	sst s0  }
0x18: {  	s0 =	sld [smem:$0x3F9C];
	_ =	swait.ge [sflag:s4], $0x0  }
0x19: {  	s7 =	sld [smem:$0x3F9D]  }
0x1a: {  	s8 =	sadd.s32 $0xFFFFE003, lr  }
0x1b: {  	s9 =	sadd.s32 $0xFFFFFEF7, lr;
	s5 =	simm.s32 $0xFFFFFFFF;
	p2 =	slt.u32 s8, $0xFFFFF086  }
0x1c: {  	p1 =	slt.u32 s9, $0xF7A;
	s5 =	simm.s32 @!p2 $0x0  }
0x1d: {  	s5 =	simm.s32 @p1 $0x1;
	p0 =	seq.s32 s7, s2  }
0x1e: {  	s7 =	smul.u32 @!p0 $0xF7A, s2;
	p2 =	seq.s32 @!p0 s5, $0x0  }
0x1f: {  	s9 =	smul.u32 $0xF7A, s1;
	s8 =	simm.s32 @!p0 $0x1BF5;
	p2 =	por !p2, p0  }
0x20: {  	[sflag:s8] =	ssyncset.s32 @!p0 $0xFFFFF086;
	s6 =	sadd.s32 @!p0 s3, s7;
	s7 =	simm.s32 @!p0 $0x108  }
0x21: {  	s3 =	sadd.s32 s3, s9;
	s6 =	sadd.s32 @!p0 $0x88, s6;
	s7 =	simm.s32 @p2 $0x1082  }
0x22: {  	[simem:s7], [sflag:s8] =	dma.local @!p0 [hbm:s6], $0xF7A  }
0x23: {  	s9 =	sor.u32 $0xD0000000, s2;
	s6 =	simm.s32 $0x108;
	_ =	swait.ge @!p0 [sflag:s8], $0x0  }
0x24: {  	s3 =	sadd.s32 $0x88, s3;
	s6 =	simm.s32 @!p1 $0x1082;
	[sflag:s4] =	ssyncset.s32 $0xFFFFF086  }
0x25: {  	[simem:s6], [sflag:s4] =	dma.local [hbm:s3], $0xF7A  }
0x26: {  	[smem:$0x3F9D] =	sst s1;
	(tag) =	ssettag s2;
	_ =	strace s9  }
0x27: {  	s1 =	sld [smem:$0x3FAD]  }
0x28: {  	s2 =	sld [smem:$0x3FAE]  }
0x29: {  	s4 =	sld [smem:$0x3FB0]  }
0x2a: {  	p0 =	seq.s32 s5, $0x0;
	s5 =	sld [smem:$0x3FB1]  }
0x2b: {  	s6 =	sld [smem:$0x3FB2]  }
0x2c: {  	s7 =	sld [smem:$0x3FB3]  }
0x2d: {  	s3 =	simm.s32 $0x108;
	s8 =	sld [smem:$0x3FB4]  }
0x2e: {  	s3 =	simm.s32 @!p0 $0x1082;
	s9 =	sld [smem:$0x3FB5]  }
0x2f: {  	lr =	sadd.s32 s0, s3;
	s0 =	sld [smem:$0x3FAC]  }
0x30: {  	s3 =	sld [smem:$0x3FAF]  }
0x31: {  	[smem:$0x3FB8] =	sst s10  }
0x32: {  	s10 =	sld [smem:$0x3FB6];
	_ =	sdelay $0x3  }
0x33: {  	p0 =	seq.s32 s10, $0x1;
	s10 =	sld [smem:$0x3FB8];
	_ =	sdelay $0x3  }
0x34: {  	[smem:$0x3FB8] =	sst s10  }
0x35: {  	s10 =	sld [smem:$0x3FB7];
	_ =	sdelay $0x3  }
0x36: {  	p1 =	seq.s32 s10, $0x1;
	s10 =	sld [smem:$0x3FB8];
	_ =	sdelay $0x3  }
0x37: {  	[smem:$0x3FB8] =	sst s10  }
0x38: {  	s10 =	sld [smem:$0x3FB9]  }
0x39: {  	_ = 	snop;
	(pc) =	sbr.ind lr, $3  }
0x3a: {  	_ = 	snop  }
0x3b: {  	_ = 	snop  }
0x3c: {  	p2 =	seq.s32 s10, $0x1;
	s10 =	sld [smem:$0x3FB8]  }
0x3d: {  	_ =	shalt  }
0x3e: {  	_ =	shalt  }
0x3f: {  	_ =	shalt  }
0x40: {  	_ =	shalt  }
0x41: {  	_ =	shalt  }
0x42: {  	_ =	shalt  }
0x43: {  	_ =	shalt  }
0x44: {  	_ =	shalt  }
0x45: {  	_ =	shalt  }
0x46: {  	_ =	shalt  }
0x47: {  	_ =	shalt  }
0x48: {  	_ =	shalt  }
0x49: {  	_ =	shalt  }
0x4a: {  	_ =	shalt  }
0x4b: {  	_ =	shalt  }
0x4c: {  	_ =	shalt  }
0x4d: {  	_ =	shalt  }
0x4e: {  	_ =	shalt  }
0x4f: {  	_ =	shalt  }
0x50: {  	_ =	shalt  }
0x51: {  	_ =	shalt  }
0x52: {  	_ =	shalt  }
0x53: {  	_ =	shalt  }
0x54: {  	_ =	shalt  }
0x55: {  	_ =	shalt  }
0x56: {  	_ =	shalt  }
0x57: {  	_ =	shalt  }
0x58: {  	_ =	shalt  }
0x59: {  	_ =	shalt  }
0x5a: {  	_ =	shalt  }
0x5b: {  	_ =	shalt  }
0x5c: {  	_ =	shalt  }
0x5d: {  	_ =	shalt  }
0x5e: {  	_ =	shalt  }
0x5f: {  	_ =	shalt  }
0x60: {  	_ =	shalt  }
0x61: {  	_ =	shalt  }
0x62: {  	_ =	shalt  }
0x63: {  	_ =	shalt  }
0x64: {  	_ =	shalt  }
0x65: {  	_ =	shalt  }
0x66: {  	_ =	shalt  }
0x67: {  	_ =	shalt  }
0x68: {  	_ =	shalt  }
0x69: {  	_ =	shalt  }
0x6a: {  	_ =	shalt  }
0x6b: {  	_ =	shalt  }
0x6c: {  	_ =	shalt  }
0x6d: {  	_ =	shalt  }
0x6e: {  	_ =	shalt  }
0x6f: {  	_ =	shalt  }
0x70: {  	_ =	shalt  }
0x71: {  	_ =	shalt  }
0x72: {  	_ =	shalt  }
0x73: {  	_ =	shalt  }
0x74: {  	_ =	shalt  }
0x75: {  	_ =	shalt  }
0x76: {  	_ =	shalt  }
0x77: {  	_ =	shalt  }
0x78: {  	_ =	shalt  }
0x79: {  	_ =	shalt  }
0x7a: {  	_ =	shalt  }
0x7b: {  	_ =	shalt  }
0x7c: {  	_ =	shalt  }
0x7d: {  	_ =	shalt  }
0x7e: {  	_ =	shalt  }
0x7f: {  	_ =	shalt  }
0x80: {  	_ =	shalt  }
0x81: {  	_ =	shalt  }
0x82: {  	_ =	shalt  }
0x83: {  	_ =	shalt  }
0x84: {  	_ =	shalt  }
0x85: {  	_ =	shalt  }
0x86: {  	_ =	shalt  }
0x87: {  	_ =	shalt  }
.Lfunc_end0:
.L_simem_size_0:
called_computation_lowered:
.L_overlay_start_0:
0x88: {  	s2 =	sld [smem:$0x3FD9]  }
0x89: {  	s3 =	sld [smem:$0x3FFE];
	_ =	sdelay $0x1  }
0x8a: {  	s1 =	srdreg.scid  }
0x8b: {  	s0 =	sand.u32 $0x1, s1  }
0x8c: {  	s17 =	sshll.u32 s0, $0xA;
	s2 =	sadd.s32 s3, s2  }
0x8d: {  	s2 =	sadd.s32 s2, s17  }
0x8e: {  	[smem:$0x3FC4] =	sst s2  }
0x8f: {  	_ = 	snop  }
0x90: {  	s2 =	sld [smem:$0x3FC9]  }
0x91: {  	s18 =	sld [smem:$0x3FC8];
	(tm) =	ssettm $0x1  }
0x92: {  	s4 =	sld [smem:$0x3FFB];
	_ =	sdelay $0x3  }
0x93: {  	_ =	strace s4  }
0x94: {  	s4 =	sld [smem:$0x3FFC];
	_ =	sdelay $0x3  }
0x95: {  	_ =	strace s4  }
0x96: {  	s4 =	sld [smem:$0x3FFD];
	_ =	sdelay $0x3  }
0x97: {  	_ =	strace s4  }
0x98: {  	_ =	strace $0x8FFFFFFF  }
0x99: {  	s19 =	sld [smem:$0x3FDB];
	_ =	sdelay $0x1  }
0x9a: {  	s5 =	simm.s32 $_scs_section_size  }
0x9b: {  	s6 =	simm.s32 $_size__tile_overlayer_lowered;
	s7 =	simm.s32 $_tile_overlayer_lowered  }
0x9c: {  	s22 =	simm.s32 $0x1BFF;
	s21 =	sshll.u32 s7, $0x1;
	s4 =	sadd.s32 s5, s19  }
0x9d: {  	s8 =	simm.s32 $0x0;
	s20 =	sshll.u32 s6, $0x1;
	s6 =	sadd.s32 s21, s4  }
0x9e: {  	[timem:s8], [sflag:s22] =	dma.local [hbm:s6], s20  }
0x9f: {  	_ =	swait.ge [sflag:s22], s20  }
0xa0: {  	s5 =	ssub.s32 $0x0, s20;
	[sflag:s22] =	ssyncset.done $0x0  }
0xa1: {  	[sflag:s22] =	ssyncadd.s32 s5;
	_ =	sdelay $0x1  }
0xa2: {  	s23 =	simm.s32 $0x1B8B  }
0xa3: {  	_ =	swait.ge [sflag:s23], $0x1  }
0xa4: {  	[sflag:s23] =	ssyncset.done $0x0  }
0xa5: {  	s25 =	simm.s32 $0x1B8E;
	s24 =	sld [smem:$0x3FFE];
	[sflag:s23] =	ssyncadd.s32 $0xFFFFFFFF  }
0xa6: {  	s26 =	simm.s32 $execute0_lowered;
	[smem:$0x3FD2] =	sst s25  }
0xa7: {  	s6 =	sshll.u32 s26, $0x1;
	_ =	strace $0x80000046;
	[dreg:$0x1] =	wrdreg $0xFFFFFFFF  }
0xa8: {  	s28 =	simm.s32 $_size_execute0_lowered;
	s4 =	sadd.s32 s4, s6;
	[dreg:$0x0] =	wrdreg $0x0  }
0xa9: {  	s6 =	sshll.u32 s28, $0x1;
	[dreg:$0x2] =	wrdreg s4  }
0xaa: {  	[dreg:$0x3] =	wrdreg s6  }
0xab: {  	[dreg:$0x4] =	wrdreg $0xC0  }
0xac: {  	_ =	task [dreg:s8], $0x5FFFF  }
0xad: {  	[dreg:$0x1] =	wrdreg $0xFFFFFFFF  }
0xae: {  	[dreg:$0x0] =	wrdreg $0x60  }
0xaf: {  	[dreg:$0x2] =	wrdreg s2  }
0xb0: {  	[dreg:$0x3] =	wrdreg s18  }
0xb1: {  	[dreg:$0x4] =	wrdreg s24  }
0xb2: {  	[dreg:$0x5] =	wrdreg $0x9  }
0xb3: {  	_ =	task.clear_ibuf [dreg:s8], $0x6FFFF;
	_ =	strace $0x90000046  }
0xb4: {  	s29 =	simm.s32 $0x9;
	_ =	strace $0x80000048  }
0xb5: {  	_ =	swait.ge [sflag:s29], $0x1  }
0xb6: {  	[sflag:s29] =	ssyncadd.s32 $0xFFFFFFFF  }
0xb7: {  	_ =	strace $0x90000048  }
0xb8: {  	_ =	sfence  }
0xb9: {  	s30 =	sld [smem:$0x0];
	_ =	sdelay $0x2  }
0xba: {  	s31 =	sshll.u32 s1, $0xD;
	s1 =	sshrl.u32 s1, $0x2  }
0xbb: {  	s3 =	sand.u32 $0x4000, s31;
	s1 =	sadd.s32 s1, s30  }
0xbc: {  	s0 =	sor.u32 s3, s0;
	s1 =	sshll.u32 s1, $0x11  }
0xbd: {  	s0 =	sor.u32 s1, s0  }
0xbe: {  	s0 =	sadd.s32 $0x8F2B, s0  }
0xbf: {  	[sflag:s0] =	ssyncadd.remote.s32 $0x1  }
0xc0: {  	_ =	sfence.sel $0xFFFF  }
0xc1: {  	[dreg:$0x0] =	wrdreg $0xFFFFFFFF;
	(pc) =	sbr.abs _section_cstart, $3  }
0xc2: {  	[dreg:$0x1] =	wrdreg $0xFFFFFFFF  }
0xc3: {  	_ =	task.clear_ibuf [dreg:s8], $0x2FFFF;
	_ =	strace $0x9FFFFFFF  }
0xc4: {  	(tm) =	ssettm $0x7FFFFFFF  }
0xc5: {  	_ =	shalt  }
tec
execute0_lowered:
.L_overlay_start_1:
0x0: {  	(tag) =	ssettag $0x1  }
0x1: {  	s4 =	rddreg [dreg:$0x0]  }
0x2: {  	s5 =	rddreg [dreg:$0x1]  }
0x3: {  	s6 =	rddreg [dreg:$0x2]  }
0x4: {  	s0 =	rddreg [dreg:$0x3];
	s3 =	srdreg.scid  }
0x5: {  	s2 =	simm.s32 $0x0;
	s1 =	stileid.u32;
	s10 =	simm.s32 $0x400  }
0x6: {  	s11 =	simm.s32 $0x600;
	s12 =	simm.s32 $0x1;
	s13 =	simm.s32 $0x2  }
0x7: {  	s14 =	simm.s32 $0x0;
	s3 =	sand.u32 $0x1, s3;
	[smem:$0x7FF] =	sst s2  }
0x8: {  	s7 =	sshll.u32 s1, $0x7;
	s8 =	sshll.u32 s3, $0x6;
	s31 =	ssub.s32 $0x2, s3  }
0x9: {  	_ =	strace $0x80000047;
	s7 =	sor.u32 s8, s7;
	s9 =	sshrl.u32 s31, $0x1  }
0xa: {  	s3 =	sadd.s32 $0xA00, s6;
	s6 =	sadd.s32 s7, s6;
	s8 =	ssub.s32 s31, s9  }
0xb: {  	s4 =	sadd.s32 s4, s7;
	s5 =	sadd.s32 s5, s7;
	s9 =	simm.s32 $0x200  }
0xc: {  	s6 =	sadd.s32 $0x3C00, s6;
	s7 =	smax.u32 s8, $0x1;
	s8 =	simm.s32 $0x3  }
.LBB2_1:
0xd: {  	[tilespmem:s2], [sflag:$0x3] =	stream.linear.gather [hbm4b:s4+s2], $0x200, $0x38;
	[tilespmem:$0x800] =	vst v63  }
0xe: {  	_ =	swait.ge [sflag:s8], $0x200  }
0xf: {  	[sflag:s8] =	ssyncset.done $0x0  }
0x10: {  	[sflag:s8] =	ssyncadd.s32 $0xFFFFFE00  }
0x11: {  	[tilespmem:s9], [sflag:$0x3] =	stream.linear.gather [hbm4b:s5+s2], $0x200, $0x38;
	[tilespmem:$0x800] =	vst v63  }
0x12: {  	_ =	swait.ge [sflag:s8], $0x200  }
0x13: {  	[sflag:s8] =	ssyncset.done $0x0  }
0x14: {  	[sflag:s8] =	ssyncadd.s32 $0xFFFFFE00  }
0x15: {  	[tilespmem:s10], [sflag:$0x1] =	stream.indirect.gather [hbm4b:s3+s9], $0x1, s2, s9, $0xb8;
	[tilespmem:$0x800] =	vst v63  }
0x16: {  	_ = 	snop  }
0x17: {  	[tilespmem:s11], [sflag:$0x2] =	stream.indirect.gather [hbm4b:s3+s9], $0x1, s9, s9, $0xb8;
	[tilespmem:$0x800] =	vst v63  }
0x18: {  	_ =	swait.ge [sflag:s12], $0x200  }
0x19: {  	[sflag:s12] =	ssyncset.done $0x0  }
0x1a: {  	[sflag:s12] =	ssyncadd.s32 $0xFFFFFE00  }
0x1b: {  	_ =	swait.ge [sflag:s13], $0x200  }
0x1c: {  	[sflag:s13] =	ssyncset.done $0x0  }
0x1d: {  	s15 =	simm.s32 $0x0;
	[sflag:s13] =	ssyncadd.s32 $0xFFFFFE00  }
0x1e: {  	s16 =	simm.s32 $0x40;
	v0 =	vld [tilespmem:s15+$0x600]  }
.LBB2_2:
0x1f: {  	p0 =	sne.s32 s16, $0x7C0;
	v1 =	vld [tilespmem:s15+$0x400];
	_ =	sdelay $0x2  }
.Ltmp0:
0x20: {  	(pc) =	sbr.rel @p0 .LBB2_2-.Ltmp0, $4  }
0x21: {  	_ = 	snop  }
0x22: {  	v1 =	vsub.f32 v1, v0  }
0x23: {  	s17 =	sshra.s32 s16, $0x2  }
0x24: {  	s16 =	sadd.s32 $0x40, s16;
	v0 =	vld [tilespmem:s17+$0x600];
	[tilespmem:s15+$0x400] =	vst v1;
	s15 =	smov.u32 s17  }
0x25: {  	v1 =	vld [tilespmem:s15+$0x400];
	_ =	sdelay $0x4  }
0x26: {  	s14 =	sadd.s32 $0x1, s14;
	v0 =	vsub.f32 v1, v0  }
0x27: {  	p0 =	sne.s32 s14, s7  }
.Ltmp1:
0x28: {  	[tilespmem:s15+$0x400] =	vst v0;
	(pc) =	sbr.rel @p0 .LBB2_1-.Ltmp1, $4  }
0x29: {  	[hbm4b:s6+s2] =	stream.linear.scatter [tilespmem:s10], [sflag:$0x3], $0x200, $0x38;
	[tilespmem:$0x800] =	vst v63  }
0x2a: {  	_ =	swait.ge [sflag:s8], $0x200  }
0x2b: {  	[sflag:s8] =	ssyncset.done $0x0  }
0x2c: {  	[sflag:s8] =	ssyncadd.s32 $0xFFFFFE00  }
0x2d: {  	_ =	sfence.sel $0x180000  }
0x2e: {  	[bflag:$0x0] =	sbarrier.arrive $0xFFFF  }
0x2f: {  	p0 =	sne.s32 s1, $0x0;
	_ =	strace $0x90000047  }
0x30: {  	s0 =	sadd.s32 @!p0 $0x100000, s0;
	[bflag:$0x2] =	sbarrier.arrive $0xFFFF  }
0x31: {  	[sflag:s0] =	ssyncadd.tile.s32 @!p0 $0x1;
	_ =	shalt  }
.Lfunc_end2:
_tile_overlayer_lowered:
.L_overlay_start_2:
0x32: {  	(tag) =	ssettag $0x2  }
0x33: {  	s0 =	rddreg [dreg:$0x0];
	s2 =	stileid.u32  }
0x34: {  	s1 =	rddreg [dreg:$0x1];
	p0 =	sne.s32 s2, $0x0  }
0x35: {  	s3 =	rddreg [dreg:$0x2];
	[bflag:$0x3] =	sbarrier.arrive $0xFFFF;
	s2 =	simm.s32 @!p0 $0x1C03  }
0x36: {  	[timem:s3], [sflag:s2] =	dma.local @!p0 [hbm:s0], s1  }
0x37: {  	s0 =	simm.s32 @!p0 $0x3  }
0x38: {  	_ =	swait.ge @!p0 [sflag:s0], s1  }
0x39: {  	s1 =	ssub.s32 @!p0 $0x0, s1;
	[sflag:s0] =	ssyncset.done @!p0 $0x0  }
0x3a: {  	[sflag:s0] =	ssyncadd.s32 @!p0 s1  }
0x3b: {  	[bflag:$0x3] =	sbarrier.arrive $0xFFFF  }
0x3c: {  	_ =	shalt  }

</sc_bundles>
